<compile_context>
chip_gen: v7x
topology: tpu7x:2x2x1
jax: 0.10.2.dev20260603
libtpu: 0.0.44.dev20260713+nightly
codegen_flags: <defaults>
</compile_context>

<pallas_src>
import functools

import jax
import jax.numpy as jnp
from jax import lax
from jax.experimental import pallas as pl
from jax.experimental.pallas import tpu as pltpu
from jax.experimental.pallas import tpu_sc as plsc

_N_ROWS = 16384
_N_COLS = 26
_B = _N_ROWS * _N_COLS
_NC = 2
_NS = 16
_NW = _NC * _NS
_PER_W = _B // _NW
_ROWS_W = _N_ROWS // _NW

_mesh = plsc.VectorSubcoreMesh(core_axis_name="c", subcore_axis_name="s")


@functools.partial(
    pl.kernel,
    mesh=_mesh,
    out_type=jax.ShapeDtypeStruct((_N_ROWS, _N_COLS), jnp.float32),
    scratch_types=[
        pltpu.VMEM((_PER_W,), jnp.int32),
        pltpu.VMEM((_PER_W,), jnp.float32),
        pltpu.VMEM((_ROWS_W, _N_COLS), jnp.float32),
        pltpu.SemaphoreType.DMA,
    ],
)
def _gather_kernel(idx_hbm, table_hbm, out_hbm, idx_v, vals_v,
                   vals2_v, sem_g):
    wid = lax.axis_index("s") * _NC + lax.axis_index("c")
    base = wid * _PER_W
    row0 = wid * _ROWS_W
    pltpu.sync_copy(idx_hbm.at[pl.ds(base, _PER_W)], idx_v)

    pltpu.async_copy(table_hbm.at[idx_v], vals_v, sem_g).wait()

    def _pack_body(r, _):
        f = r * _N_COLS
        vals2_v[r, pl.ds(0, 16)] = vals_v[pl.ds(f, 16)]
        vals2_v[r, pl.ds(10, 16)] = vals_v[pl.ds(f + 10, 16)]
        return _

    lax.fori_loop(0, _ROWS_W, _pack_body, 0, unroll=8)

    pltpu.sync_copy(vals2_v, out_hbm.at[pl.ds(row0, _ROWS_W), :])


def kernel(states, potential_weights):
    return _gather_kernel(states.reshape(-1).astype(jnp.int32),
                          potential_weights)

# --- scband reference (transcript-rebuilt; emitter-appended) ---
"""Pipeline reference for scband-tabular-potential-60541859004559 (READ-ONLY COPY).

The authoritative reference and input builder live on the scoring server;
editing this copy changes nothing except your own understanding.
"""

import jax, jax.numpy as jnp
import numpy as np

N_TABLE = 1000000

def setup_inputs(seed: int = 0) -> dict:
    key = jax.random.key(seed)
    k1, k2 = jax.random.split(key)
    states = jax.random.randint(k1, (16384, 26), 0, N_TABLE)
    potential_weights = jax.random.normal(k2, (N_TABLE,), dtype=jnp.float32)
    return {"states": states, "potential_weights": potential_weights}

def reference(states, potential_weights):
    # Faithful translation of: return self.potential_weights[states]
    return jnp.take(potential_weights, states, axis=0)

if __name__ == "__main__":
    import jax
    _d = setup_inputs()
    print(jax.jit(kernel)(*tuple(_d.values())))

</pallas_src>

<mosaic_0001>
#map = affine_map<(d0, d1) -> (0)>
#map1 = affine_map<(d0, d1) -> (0, 0)>
module attributes {stable_mosaic.version = 14 : i64} {
  func.func @_gather_kernel(%arg0: i32, %arg1: i32, %arg2: memref<425984xi32, #tpu.memory_space<hbm>>, %arg3: memref<1000000xf32, #tpu.memory_space<hbm>>, %arg4: memref<16384x26xf32, #tpu.memory_space<hbm>>, %arg5: memref<13312xi32, #tpu.memory_space<vmem>>, %arg6: memref<13312xf32, #tpu.memory_space<vmem>>, %arg7: memref<512x26xf32, #tpu.memory_space<vmem>>, %arg8: memref<!tpu.dma_semaphore, #tpu.memory_space<semaphore_mem>>) attributes {dimension_semantics = [#tpu.dimension_semantics<core_parallel>, #tpu.dimension_semantics<subcore_parallel>], iteration_bounds = array<i64: 2, 16>, scalar_prefetch = 0 : i64, scratch_operands = 4 : i64, tpu.core_type = #tpu.core_type<sc_vector_subcore>, window_params = [{transform_indices = #map}, {transform_indices = #map}, {transform_indices = #map1}]} {
    %mul3A = arith.constant 2 : i32
    %mul3A_0 = arith.muli %arg1, %mul3A : i32
    %add3A = arith.addi %mul3A_0, %arg0 : i32
    %mul3A_1 = arith.constant 13312 : i32
    %mul3A_2 = arith.muli %add3A, %mul3A_1 : i32
    %mul3A_3 = arith.constant 512 : i32
    %mul3A_4 = arith.muli %add3A, %mul3A_3 : i32
    "tpu.region"() ({
      %run_scoped3A = tpu.sem_alloc : memref<!tpu.dma_semaphore, #tpu.memory_space<semaphore_mem>>
      %dma_start3A_12 = tpu.memref_slice %arg2[%mul3A_2] : memref<425984xi32, #tpu.memory_space<hbm>> -> memref<13312xi32, #tpu.memory_space<hbm>>
      %dma_start3A_13 = tpu.memref_slice %arg2[%mul3A_2] : memref<425984xi32, #tpu.memory_space<hbm>> -> memref<13312xi32, #tpu.memory_space<hbm>>
      tpu.enqueue_dma source(%dma_start3A_13 : memref<13312xi32, #tpu.memory_space<hbm>>) target(%arg5 : memref<13312xi32, #tpu.memory_space<vmem>>) target_semaphore(%run_scoped3A : memref<!tpu.dma_semaphore, #tpu.memory_space<semaphore_mem>>)
      %dma_wait3A_14 = tpu.memref_slice %arg2[%mul3A_2] : memref<425984xi32, #tpu.memory_space<hbm>> -> memref<13312xi32, #tpu.memory_space<hbm>>
      %dma_wait3A_15 = tpu.memref_slice %arg2[%mul3A_2] : memref<425984xi32, #tpu.memory_space<hbm>> -> memref<13312xi32, #tpu.memory_space<hbm>>
      tpu.wait_dma2 semaphore(%run_scoped3A : memref<!tpu.dma_semaphore, #tpu.memory_space<semaphore_mem>>) src(%dma_wait3A_15 : memref<13312xi32, #tpu.memory_space<hbm>>) dst(%arg5 : memref<13312xi32, #tpu.memory_space<vmem>>)
      tpu.yield
    }) : () -> ()
    %dma_start3A = arith.constant 0 : i32
    %dma_start3A_5 = tpu.memref_slice %arg3[%dma_start3A] : memref<1000000xf32, #tpu.memory_space<hbm>> -> memref<1000000xf32, #tpu.memory_space<hbm>>
    tpu.enqueue_indirect_dma source(%dma_start3A_5 : memref<1000000xf32, #tpu.memory_space<hbm>>) target(%arg6 : memref<13312xf32, #tpu.memory_space<vmem>>) offsets(%arg5 : memref<13312xi32, #tpu.memory_space<vmem>>) semaphore(%arg8 : memref<!tpu.dma_semaphore, #tpu.memory_space<semaphore_mem>>)
    %dma_wait3A = arith.constant 0 : i32
    %dma_wait3A_6 = tpu.memref_slice %arg3[%dma_wait3A] : memref<1000000xf32, #tpu.memory_space<hbm>> -> memref<1000000xf32, #tpu.memory_space<hbm>>
    tpu.wait_indirect_dma semaphore(%arg8 : memref<!tpu.dma_semaphore, #tpu.memory_space<semaphore_mem>>) src(%dma_wait3A_6 : memref<1000000xf32, #tpu.memory_space<hbm>>) dst(%arg6 : memref<13312xf32, #tpu.memory_space<vmem>>)
    %scan3A = arith.constant 0 : i32
    %scan3A_7 = arith.constant 0 : i32
    %scan3A_8 = arith.constant 512 : i32
    %scan3A_9 = arith.addi %scan3A_7, %scan3A_8 : i32
    %scan3A_10 = arith.constant 8 : i32
    scf.for %scan3A_12 = %scan3A_7 to %scan3A_9 step %scan3A_10  : i32 {
      %mul3A_13 = arith.constant 26 : i32
      %mul3A_14 = arith.muli %scan3A_12, %mul3A_13 : i32
      %get3A = arith.index_cast %mul3A_14 : i32 to index
      %get3A_15 = tpu.vector_load %arg6[%get3A] {strides = array<i32>} : memref<13312xf32, #tpu.memory_space<vmem>>, vector<16xf32>,
      %get3A_16 = vector.shape_cast %get3A_15 : vector<16xf32> to vector<16xf32>
      %swap3A = arith.index_cast %scan3A_12 : i32 to index
      %swap3A_17 = arith.constant 0 : index
      %swap3A_18 = tpu.vector_load %arg7[%swap3A, %swap3A_17] {strides = array<i32>} : memref<512x26xf32, #tpu.memory_space<vmem>>, vector<1x16xf32>,
      %swap3A_19 = vector.shape_cast %swap3A_18 : vector<1x16xf32> to vector<16xf32>
      %swap3A_20 = vector.shape_cast %get3A_16 : vector<16xf32> to vector<1x16xf32>
      tpu.vector_store %arg7[%swap3A, %swap3A_17], %swap3A_20 {strides = array<i32>} : memref<512x26xf32, #tpu.memory_space<vmem>>, vector<1x16xf32>,
      %add3A_21 = arith.constant 10 : i32
      %add3A_22 = arith.addi %mul3A_14, %add3A_21 : i32
      %get3A_23 = arith.index_cast %add3A_22 : i32 to index
      %get3A_24 = tpu.vector_load %arg6[%get3A_23] {strides = array<i32>} : memref<13312xf32, #tpu.memory_space<vmem>>, vector<16xf32>,
      %get3A_25 = vector.shape_cast %get3A_24 : vector<16xf32> to vector<16xf32>
      %swap3A_26 = arith.index_cast %scan3A_12 : i32 to index
      %swap3A_27 = arith.constant 10 : index
      %swap3A_28 = tpu.vector_load %arg7[%swap3A_26, %swap3A_27] {strides = array<i32>} : memref<512x26xf32, #tpu.memory_space<vmem>>, vector<1x16xf32>,
      %swap3A_29 = vector.shape_cast %swap3A_28 : vector<1x16xf32> to vector<16xf32>
      %swap3A_30 = vector.shape_cast %get3A_25 : vector<16xf32> to vector<1x16xf32>
      tpu.vector_store %arg7[%swap3A_26, %swap3A_27], %swap3A_30 {strides = array<i32>} : memref<512x26xf32, #tpu.memory_space<vmem>>, vector<1x16xf32>,
      %scan3A_31 = arith.constant 1 : i32
      %scan3A_32 = arith.addi %scan3A_12, %scan3A_31 : i32
      %mul3A_33 = arith.constant 26 : i32
      %mul3A_34 = arith.muli %scan3A_32, %mul3A_33 : i32
      %get3A_35 = arith.index_cast %mul3A_34 : i32 to index
      %get3A_36 = tpu.vector_load %arg6[%get3A_35] {strides = array<i32>} : memref<13312xf32, #tpu.memory_space<vmem>>, vector<16xf32>,
      %get3A_37 = vector.shape_cast %get3A_36 : vector<16xf32> to vector<16xf32>
      %swap3A_38 = arith.index_cast %scan3A_32 : i32 to index
      %swap3A_39 = arith.constant 0 : index
      %swap3A_40 = tpu.vector_load %arg7[%swap3A_38, %swap3A_39] {strides = array<i32>} : memref<512x26xf32, #tpu.memory_space<vmem>>, vector<1x16xf32>,
      %swap3A_41 = vector.shape_cast %swap3A_40 : vector<1x16xf32> to vector<16xf32>
      %swap3A_42 = vector.shape_cast %get3A_37 : vector<16xf32> to vector<1x16xf32>
      tpu.vector_store %arg7[%swap3A_38, %swap3A_39], %swap3A_42 {strides = array<i32>} : memref<512x26xf32, #tpu.memory_space<vmem>>, vector<1x16xf32>,
      %add3A_43 = arith.constant 10 : i32
      %add3A_44 = arith.addi %mul3A_34, %add3A_43 : i32
      %get3A_45 = arith.index_cast %add3A_44 : i32 to index
      %get3A_46 = tpu.vector_load %arg6[%get3A_45] {strides = array<i32>} : memref<13312xf32, #tpu.memory_space<vmem>>, vector<16xf32>,
      %get3A_47 = vector.shape_cast %get3A_46 : vector<16xf32> to vector<16xf32>
      %swap3A_48 = arith.index_cast %scan3A_32 : i32 to index
      %swap3A_49 = arith.constant 10 : index
      %swap3A_50 = tpu.vector_load %arg7[%swap3A_48, %swap3A_49] {strides = array<i32>} : memref<512x26xf32, #tpu.memory_space<vmem>>, vector<1x16xf32>,
      %swap3A_51 = vector.shape_cast %swap3A_50 : vector<1x16xf32> to vector<16xf32>
      %swap3A_52 = vector.shape_cast %get3A_47 : vector<16xf32> to vector<1x16xf32>
      tpu.vector_store %arg7[%swap3A_48, %swap3A_49], %swap3A_52 {strides = array<i32>} : memref<512x26xf32, #tpu.memory_space<vmem>>, vector<1x16xf32>,
      %scan3A_53 = arith.constant 2 : i32
      %scan3A_54 = arith.addi %scan3A_12, %scan3A_53 : i32
      %mul3A_55 = arith.constant 26 : i32
      %mul3A_56 = arith.muli %scan3A_54, %mul3A_55 : i32
      %get3A_57 = arith.index_cast %mul3A_56 : i32 to index
      %get3A_58 = tpu.vector_load %arg6[%get3A_57] {strides = array<i32>} : memref<13312xf32, #tpu.memory_space<vmem>>, vector<16xf32>,
      %get3A_59 = vector.shape_cast %get3A_58 : vector<16xf32> to vector<16xf32>
      %swap3A_60 = arith.index_cast %scan3A_54 : i32 to index
      %swap3A_61 = arith.constant 0 : index
      %swap3A_62 = tpu.vector_load %arg7[%swap3A_60, %swap3A_61] {strides = array<i32>} : memref<512x26xf32, #tpu.memory_space<vmem>>, vector<1x16xf32>,
      %swap3A_63 = vector.shape_cast %swap3A_62 : vector<1x16xf32> to vector<16xf32>
      %swap3A_64 = vector.shape_cast %get3A_59 : vector<16xf32> to vector<1x16xf32>
      tpu.vector_store %arg7[%swap3A_60, %swap3A_61], %swap3A_64 {strides = array<i32>} : memref<512x26xf32, #tpu.memory_space<vmem>>, vector<1x16xf32>,
      %add3A_65 = arith.constant 10 : i32
      %add3A_66 = arith.addi %mul3A_56, %add3A_65 : i32
      %get3A_67 = arith.index_cast %add3A_66 : i32 to index
      %get3A_68 = tpu.vector_load %arg6[%get3A_67] {strides = array<i32>} : memref<13312xf32, #tpu.memory_space<vmem>>, vector<16xf32>,
      %get3A_69 = vector.shape_cast %get3A_68 : vector<16xf32> to vector<16xf32>
      %swap3A_70 = arith.index_cast %scan3A_54 : i32 to index
      %swap3A_71 = arith.constant 10 : index
      %swap3A_72 = tpu.vector_load %arg7[%swap3A_70, %swap3A_71] {strides = array<i32>} : memref<512x26xf32, #tpu.memory_space<vmem>>, vector<1x16xf32>,
      %swap3A_73 = vector.shape_cast %swap3A_72 : vector<1x16xf32> to vector<16xf32>
      %swap3A_74 = vector.shape_cast %get3A_69 : vector<16xf32> to vector<1x16xf32>
      tpu.vector_store %arg7[%swap3A_70, %swap3A_71], %swap3A_74 {strides = array<i32>} : memref<512x26xf32, #tpu.memory_space<vmem>>, vector<1x16xf32>,
      %scan3A_75 = arith.constant 3 : i32
      %scan3A_76 = arith.addi %scan3A_12, %scan3A_75 : i32
      %mul3A_77 = arith.constant 26 : i32
      %mul3A_78 = arith.muli %scan3A_76, %mul3A_77 : i32
      %get3A_79 = arith.index_cast %mul3A_78 : i32 to index
      %get3A_80 = tpu.vector_load %arg6[%get3A_79] {strides = array<i32>} : memref<13312xf32, #tpu.memory_space<vmem>>, vector<16xf32>,
      %get3A_81 = vector.shape_cast %get3A_80 : vector<16xf32> to vector<16xf32>
      %swap3A_82 = arith.index_cast %scan3A_76 : i32 to index
      %swap3A_83 = arith.constant 0 : index
      %swap3A_84 = tpu.vector_load %arg7[%swap3A_82, %swap3A_83] {strides = array<i32>} : memref<512x26xf32, #tpu.memory_space<vmem>>, vector<1x16xf32>,
      %swap3A_85 = vector.shape_cast %swap3A_84 : vector<1x16xf32> to vector<16xf32>
      %swap3A_86 = vector.shape_cast %get3A_81 : vector<16xf32> to vector<1x16xf32>
      tpu.vector_store %arg7[%swap3A_82, %swap3A_83], %swap3A_86 {strides = array<i32>} : memref<512x26xf32, #tpu.memory_space<vmem>>, vector<1x16xf32>,
      %add3A_87 = arith.constant 10 : i32
      %add3A_88 = arith.addi %mul3A_78, %add3A_87 : i32
      %get3A_89 = arith.index_cast %add3A_88 : i32 to index
      %get3A_90 = tpu.vector_load %arg6[%get3A_89] {strides = array<i32>} : memref<13312xf32, #tpu.memory_space<vmem>>, vector<16xf32>,
      %get3A_91 = vector.shape_cast %get3A_90 : vector<16xf32> to vector<16xf32>
      %swap3A_92 = arith.index_cast %scan3A_76 : i32 to index
      %swap3A_93 = arith.constant 10 : index
      %swap3A_94 = tpu.vector_load %arg7[%swap3A_92, %swap3A_93] {strides = array<i32>} : memref<512x26xf32, #tpu.memory_space<vmem>>, vector<1x16xf32>,
      %swap3A_95 = vector.shape_cast %swap3A_94 : vector<1x16xf32> to vector<16xf32>
      %swap3A_96 = vector.shape_cast %get3A_91 : vector<16xf32> to vector<1x16xf32>
      tpu.vector_store %arg7[%swap3A_92, %swap3A_93], %swap3A_96 {strides = array<i32>} : memref<512x26xf32, #tpu.memory_space<vmem>>, vector<1x16xf32>,
      %scan3A_97 = arith.constant 4 : i32
      %scan3A_98 = arith.addi %scan3A_12, %scan3A_97 : i32
      %mul3A_99 = arith.constant 26 : i32
      %mul3A_100 = arith.muli %scan3A_98, %mul3A_99 : i32
      %get3A_101 = arith.index_cast %mul3A_100 : i32 to index
      %get3A_102 = tpu.vector_load %arg6[%get3A_101] {strides = array<i32>} : memref<13312xf32, #tpu.memory_space<vmem>>, vector<16xf32>,
      %get3A_103 = vector.shape_cast %get3A_102 : vector<16xf32> to vector<16xf32>
      %swap3A_104 = arith.index_cast %scan3A_98 : i32 to index
      %swap3A_105 = arith.constant 0 : index
      %swap3A_106 = tpu.vector_load %arg7[%swap3A_104, %swap3A_105] {strides = array<i32>} : memref<512x26xf32, #tpu.memory_space<vmem>>, vector<1x16xf32>,
      %swap3A_107 = vector.shape_cast %swap3A_106 : vector<1x16xf32> to vector<16xf32>
      %swap3A_108 = vector.shape_cast %get3A_103 : vector<16xf32> to vector<1x16xf32>
      tpu.vector_store %arg7[%swap3A_104, %swap3A_105], %swap3A_108 {strides = array<i32>} : memref<512x26xf32, #tpu.memory_space<vmem>>, vector<1x16xf32>,
      %add3A_109 = arith.constant 10 : i32
      %add3A_110 = arith.addi %mul3A_100, %add3A_109 : i32
      %get3A_111 = arith.index_cast %add3A_110 : i32 to index
      %get3A_112 = tpu.vector_load %arg6[%get3A_111] {strides = array<i32>} : memref<13312xf32, #tpu.memory_space<vmem>>, vector<16xf32>,
      %get3A_113 = vector.shape_cast %get3A_112 : vector<16xf32> to vector<16xf32>
      %swap3A_114 = arith.index_cast %scan3A_98 : i32 to index
      %swap3A_115 = arith.constant 10 : index
      %swap3A_116 = tpu.vector_load %arg7[%swap3A_114, %swap3A_115] {strides = array<i32>} : memref<512x26xf32, #tpu.memory_space<vmem>>, vector<1x16xf32>,
      %swap3A_117 = vector.shape_cast %swap3A_116 : vector<1x16xf32> to vector<16xf32>
      %swap3A_118 = vector.shape_cast %get3A_113 : vector<16xf32> to vector<1x16xf32>
      tpu.vector_store %arg7[%swap3A_114, %swap3A_115], %swap3A_118 {strides = array<i32>} : memref<512x26xf32, #tpu.memory_space<vmem>>, vector<1x16xf32>,
      %scan3A_119 = arith.constant 5 : i32
      %scan3A_120 = arith.addi %scan3A_12, %scan3A_119 : i32
      %mul3A_121 = arith.constant 26 : i32
      %mul3A_122 = arith.muli %scan3A_120, %mul3A_121 : i32
      %get3A_123 = arith.index_cast %mul3A_122 : i32 to index
      %get3A_124 = tpu.vector_load %arg6[%get3A_123] {strides = array<i32>} : memref<13312xf32, #tpu.memory_space<vmem>>, vector<16xf32>,
      %get3A_125 = vector.shape_cast %get3A_124 : vector<16xf32> to vector<16xf32>
      %swap3A_126 = arith.index_cast %scan3A_120 : i32 to index
      %swap3A_127 = arith.constant 0 : index
      %swap3A_128 = tpu.vector_load %arg7[%swap3A_126, %swap3A_127] {strides = array<i32>} : memref<512x26xf32, #tpu.memory_space<vmem>>, vector<1x16xf32>,
      %swap3A_129 = vector.shape_cast %swap3A_128 : vector<1x16xf32> to vector<16xf32>
      %swap3A_130 = vector.shape_cast %get3A_125 : vector<16xf32> to vector<1x16xf32>
      tpu.vector_store %arg7[%swap3A_126, %swap3A_127], %swap3A_130 {strides = array<i32>} : memref<512x26xf32, #tpu.memory_space<vmem>>, vector<1x16xf32>,
      %add3A_131 = arith.constant 10 : i32
      %add3A_132 = arith.addi %mul3A_122, %add3A_131 : i32
      %get3A_133 = arith.index_cast %add3A_132 : i32 to index
      %get3A_134 = tpu.vector_load %arg6[%get3A_133] {strides = array<i32>} : memref<13312xf32, #tpu.memory_space<vmem>>, vector<16xf32>,
      %get3A_135 = vector.shape_cast %get3A_134 : vector<16xf32> to vector<16xf32>
      %swap3A_136 = arith.index_cast %scan3A_120 : i32 to index
      %swap3A_137 = arith.constant 10 : index
      %swap3A_138 = tpu.vector_load %arg7[%swap3A_136, %swap3A_137] {strides = array<i32>} : memref<512x26xf32, #tpu.memory_space<vmem>>, vector<1x16xf32>,
      %swap3A_139 = vector.shape_cast %swap3A_138 : vector<1x16xf32> to vector<16xf32>
      %swap3A_140 = vector.shape_cast %get3A_135 : vector<16xf32> to vector<1x16xf32>
      tpu.vector_store %arg7[%swap3A_136, %swap3A_137], %swap3A_140 {strides = array<i32>} : memref<512x26xf32, #tpu.memory_space<vmem>>, vector<1x16xf32>,
      %scan3A_141 = arith.constant 6 : i32
      %scan3A_142 = arith.addi %scan3A_12, %scan3A_141 : i32
      %mul3A_143 = arith.constant 26 : i32
      %mul3A_144 = arith.muli %scan3A_142, %mul3A_143 : i32
      %get3A_145 = arith.index_cast %mul3A_144 : i32 to index
      %get3A_146 = tpu.vector_load %arg6[%get3A_145] {strides = array<i32>} : memref<13312xf32, #tpu.memory_space<vmem>>, vector<16xf32>,
      %get3A_147 = vector.shape_cast %get3A_146 : vector<16xf32> to vector<16xf32>
      %swap3A_148 = arith.index_cast %scan3A_142 : i32 to index
      %swap3A_149 = arith.constant 0 : index
      %swap3A_150 = tpu.vector_load %arg7[%swap3A_148, %swap3A_149] {strides = array<i32>} : memref<512x26xf32, #tpu.memory_space<vmem>>, vector<1x16xf32>,
      %swap3A_151 = vector.shape_cast %swap3A_150 : vector<1x16xf32> to vector<16xf32>
      %swap3A_152 = vector.shape_cast %get3A_147 : vector<16xf32> to vector<1x16xf32>
      tpu.vector_store %arg7[%swap3A_148, %swap3A_149], %swap3A_152 {strides = array<i32>} : memref<512x26xf32, #tpu.memory_space<vmem>>, vector<1x16xf32>,
      %add3A_153 = arith.constant 10 : i32
      %add3A_154 = arith.addi %mul3A_144, %add3A_153 : i32
      %get3A_155 = arith.index_cast %add3A_154 : i32 to index
      %get3A_156 = tpu.vector_load %arg6[%get3A_155] {strides = array<i32>} : memref<13312xf32, #tpu.memory_space<vmem>>, vector<16xf32>,
      %get3A_157 = vector.shape_cast %get3A_156 : vector<16xf32> to vector<16xf32>
      %swap3A_158 = arith.index_cast %scan3A_142 : i32 to index
      %swap3A_159 = arith.constant 10 : index
      %swap3A_160 = tpu.vector_load %arg7[%swap3A_158, %swap3A_159] {strides = array<i32>} : memref<512x26xf32, #tpu.memory_space<vmem>>, vector<1x16xf32>,
      %swap3A_161 = vector.shape_cast %swap3A_160 : vector<1x16xf32> to vector<16xf32>
      %swap3A_162 = vector.shape_cast %get3A_157 : vector<16xf32> to vector<1x16xf32>
      tpu.vector_store %arg7[%swap3A_158, %swap3A_159], %swap3A_162 {strides = array<i32>} : memref<512x26xf32, #tpu.memory_space<vmem>>, vector<1x16xf32>,
      %scan3A_163 = arith.constant 7 : i32
      %scan3A_164 = arith.addi %scan3A_12, %scan3A_163 : i32
      %mul3A_165 = arith.constant 26 : i32
      %mul3A_166 = arith.muli %scan3A_164, %mul3A_165 : i32
      %get3A_167 = arith.index_cast %mul3A_166 : i32 to index
      %get3A_168 = tpu.vector_load %arg6[%get3A_167] {strides = array<i32>} : memref<13312xf32, #tpu.memory_space<vmem>>, vector<16xf32>,
      %get3A_169 = vector.shape_cast %get3A_168 : vector<16xf32> to vector<16xf32>
      %swap3A_170 = arith.index_cast %scan3A_164 : i32 to index
      %swap3A_171 = arith.constant 0 : index
      %swap3A_172 = tpu.vector_load %arg7[%swap3A_170, %swap3A_171] {strides = array<i32>} : memref<512x26xf32, #tpu.memory_space<vmem>>, vector<1x16xf32>,
      %swap3A_173 = vector.shape_cast %swap3A_172 : vector<1x16xf32> to vector<16xf32>
      %swap3A_174 = vector.shape_cast %get3A_169 : vector<16xf32> to vector<1x16xf32>
      tpu.vector_store %arg7[%swap3A_170, %swap3A_171], %swap3A_174 {strides = array<i32>} : memref<512x26xf32, #tpu.memory_space<vmem>>, vector<1x16xf32>,
      %add3A_175 = arith.constant 10 : i32
      %add3A_176 = arith.addi %mul3A_166, %add3A_175 : i32
      %get3A_177 = arith.index_cast %add3A_176 : i32 to index
      %get3A_178 = tpu.vector_load %arg6[%get3A_177] {strides = array<i32>} : memref<13312xf32, #tpu.memory_space<vmem>>, vector<16xf32>,
      %get3A_179 = vector.shape_cast %get3A_178 : vector<16xf32> to vector<16xf32>
      %swap3A_180 = arith.index_cast %scan3A_164 : i32 to index
      %swap3A_181 = arith.constant 10 : index
      %swap3A_182 = tpu.vector_load %arg7[%swap3A_180, %swap3A_181] {strides = array<i32>} : memref<512x26xf32, #tpu.memory_space<vmem>>, vector<1x16xf32>,
      %swap3A_183 = vector.shape_cast %swap3A_182 : vector<1x16xf32> to vector<16xf32>
      %swap3A_184 = vector.shape_cast %get3A_179 : vector<16xf32> to vector<1x16xf32>
      tpu.vector_store %arg7[%swap3A_180, %swap3A_181], %swap3A_184 {strides = array<i32>} : memref<512x26xf32, #tpu.memory_space<vmem>>, vector<1x16xf32>,
    }
    %scan3A_11 = arith.constant 512 : i32
    "tpu.region"() ({
      %run_scoped3A = tpu.sem_alloc : memref<!tpu.dma_semaphore, #tpu.memory_space<semaphore_mem>>
      %dma_start3A_12 = arith.constant 0 : i32
      %dma_start3A_13 = tpu.memref_slice %arg4[%mul3A_4, %dma_start3A_12] : memref<16384x26xf32, #tpu.memory_space<hbm>> -> memref<512x26xf32, #tpu.memory_space<hbm>>
      %dma_start3A_14 = arith.constant 0 : i32
      %dma_start3A_15 = tpu.memref_slice %arg4[%mul3A_4, %dma_start3A_14] : memref<16384x26xf32, #tpu.memory_space<hbm>> -> memref<512x26xf32, #tpu.memory_space<hbm>>
      tpu.enqueue_dma source(%arg7 : memref<512x26xf32, #tpu.memory_space<vmem>>) target(%dma_start3A_15 : memref<512x26xf32, #tpu.memory_space<hbm>>) target_semaphore(%run_scoped3A : memref<!tpu.dma_semaphore, #tpu.memory_space<semaphore_mem>>)
      %dma_wait3A_16 = arith.constant 0 : i32
      %dma_wait3A_17 = tpu.memref_slice %arg4[%mul3A_4, %dma_wait3A_16] : memref<16384x26xf32, #tpu.memory_space<hbm>> -> memref<512x26xf32, #tpu.memory_space<hbm>>
      %dma_wait3A_18 = arith.constant 0 : i32
      %dma_wait3A_19 = tpu.memref_slice %arg4[%mul3A_4, %dma_wait3A_18] : memref<16384x26xf32, #tpu.memory_space<hbm>> -> memref<512x26xf32, #tpu.memory_space<hbm>>
      tpu.wait_dma2 semaphore(%run_scoped3A : memref<!tpu.dma_semaphore, #tpu.memory_space<semaphore_mem>>) src(%arg7 : memref<512x26xf32, #tpu.memory_space<vmem>>) dst(%dma_wait3A_19 : memref<512x26xf32, #tpu.memory_space<hbm>>)
      tpu.yield
    }) : () -> ()
    return
  }
}

</mosaic_0001>

<sc_bundles>
// kernel: kernel.3.cloned.1.call-start
scs
__scs_entry_jumppad:
0x0: {  	(pc) =	sbr.rel $0x88, $3  }
0x1: {  	(tag) =	ssettag $0x0;
	lr =	simm.s32 $0x1  }
0x2: {  	[smem:$0x3F9F] =	sst lr;
	_ =	strace $0xD0000000  }
0x3: {  	_ = 	snop  }
0x4: {  	_ = 	snop  }
0x5: {  	_ = 	snop  }
0x6: {  	_ = 	snop  }
0x7: {  	_ = 	snop  }
__scs_overlays_trampoline_lowered:
0x8: {  	[smem:$0x3FAE] =	sst s0  }
0x9: {  	[smem:$0x3FAF] =	sst s1  }
0xa: {  	[smem:$0x3FB0] =	sst s2  }
0xb: {  	[smem:$0x3FB1] =	sst s3  }
0xc: {  	[smem:$0x3FB2] =	sst s4  }
0xd: {  	[smem:$0x3FB3] =	sst s5  }
0xe: {  	[smem:$0x3FB4] =	sst s6  }
0xf: {  	[smem:$0x3FB5] =	sst s7  }
0x10: {  	[smem:$0x3FB6] =	sst s8  }
0x11: {  	[smem:$0x3FB7] =	sst s9;
	s0 =	simm.s32 @!p0 $0x0  }
0x12: {  	s1 =	sld [smem:$0x3F9D];
	s0 =	simm.s32 @p0 $0x1  }
0x13: {  	[smem:$0x3FB8] =	sst s0;
	s0 =	simm.s32 @!p1 $0x0  }
0x14: {  	s2 =	sld [smem:$0x3F9C];
	s0 =	simm.s32 @p1 $0x1  }
0x15: {  	[smem:$0x3FB9] =	sst s0;
	s0 =	simm.s32 @!p2 $0x0  }
0x16: {  	s3 =	sld [smem:$0x3FDB];
	s0 =	simm.s32 @p2 $0x1  }
0x17: {  	s4 =	simm.s32 $0x1BF5;
	[smem:$0x3FBB] =	sst s0  }
0x18: {  	s0 =	sld [smem:$0x3F9E];
	_ =	swait.ge [sflag:s4], $0x0  }
0x19: {  	s7 =	sld [smem:$0x3F9F]  }
0x1a: {  	s8 =	sadd.s32 $0xFFFFE003, lr  }
0x1b: {  	s9 =	sadd.s32 $0xFFFFFEF7, lr;
	s5 =	simm.s32 $0xFFFFFFFF;
	p2 =	slt.u32 s8, $0xFFFFF086  }
0x1c: {  	p1 =	slt.u32 s9, $0xF7A;
	s5 =	simm.s32 @!p2 $0x0  }
0x1d: {  	s5 =	simm.s32 @p1 $0x1;
	p0 =	seq.s32 s7, s2  }
0x1e: {  	s7 =	smul.u32 @!p0 $0xF7A, s2;
	p2 =	seq.s32 @!p0 s5, $0x0  }
0x1f: {  	s9 =	smul.u32 $0xF7A, s1;
	s8 =	simm.s32 @!p0 $0x1BF5;
	p2 =	por !p2, p0  }
0x20: {  	[sflag:s8] =	ssyncset.s32 @!p0 $0xFFFFF086;
	s6 =	sadd.s32 @!p0 s3, s7;
	s7 =	simm.s32 @!p0 $0x108  }
0x21: {  	s3 =	sadd.s32 s3, s9;
	s6 =	sadd.s32 @!p0 $0x88, s6;
	s7 =	simm.s32 @p2 $0x1082  }
0x22: {  	[simem:s7], [sflag:s8] =	dma.local @!p0 [hbm:s6], $0xF7A  }
0x23: {  	s9 =	sor.u32 $0xD0000000, s2;
	s6 =	simm.s32 $0x108;
	_ =	swait.ge @!p0 [sflag:s8], $0x0  }
0x24: {  	s3 =	sadd.s32 $0x88, s3;
	s6 =	simm.s32 @!p1 $0x1082;
	[sflag:s4] =	ssyncset.s32 $0xFFFFF086  }
0x25: {  	[simem:s6], [sflag:s4] =	dma.local [hbm:s3], $0xF7A  }
0x26: {  	[smem:$0x3F9F] =	sst s1;
	(tag) =	ssettag s2;
	_ =	strace s9  }
0x27: {  	s1 =	sld [smem:$0x3FAF]  }
0x28: {  	s2 =	sld [smem:$0x3FB0]  }
0x29: {  	s4 =	sld [smem:$0x3FB2]  }
0x2a: {  	p0 =	seq.s32 s5, $0x0;
	s5 =	sld [smem:$0x3FB3]  }
0x2b: {  	s6 =	sld [smem:$0x3FB4]  }
0x2c: {  	s7 =	sld [smem:$0x3FB5]  }
0x2d: {  	s3 =	simm.s32 $0x108;
	s8 =	sld [smem:$0x3FB6]  }
0x2e: {  	s3 =	simm.s32 @!p0 $0x1082;
	s9 =	sld [smem:$0x3FB7]  }
0x2f: {  	lr =	sadd.s32 s0, s3;
	s0 =	sld [smem:$0x3FAE]  }
0x30: {  	s3 =	sld [smem:$0x3FB1]  }
0x31: {  	[smem:$0x3FBA] =	sst s10  }
0x32: {  	s10 =	sld [smem:$0x3FB8];
	_ =	sdelay $0x3  }
0x33: {  	p0 =	seq.s32 s10, $0x1;
	s10 =	sld [smem:$0x3FBA];
	_ =	sdelay $0x3  }
0x34: {  	[smem:$0x3FBA] =	sst s10  }
0x35: {  	s10 =	sld [smem:$0x3FB9];
	_ =	sdelay $0x3  }
0x36: {  	p1 =	seq.s32 s10, $0x1;
	s10 =	sld [smem:$0x3FBA];
	_ =	sdelay $0x3  }
0x37: {  	[smem:$0x3FBA] =	sst s10  }
0x38: {  	s10 =	sld [smem:$0x3FBB]  }
0x39: {  	_ = 	snop;
	(pc) =	sbr.ind lr, $3  }
0x3a: {  	_ = 	snop  }
0x3b: {  	_ = 	snop  }
0x3c: {  	p2 =	seq.s32 s10, $0x1;
	s10 =	sld [smem:$0x3FBA]  }
0x3d: {  	_ =	shalt  }
0x3e: {  	_ =	shalt  }
0x3f: {  	_ =	shalt  }
0x40: {  	_ =	shalt  }
0x41: {  	_ =	shalt  }
0x42: {  	_ =	shalt  }
0x43: {  	_ =	shalt  }
0x44: {  	_ =	shalt  }
0x45: {  	_ =	shalt  }
0x46: {  	_ =	shalt  }
0x47: {  	_ =	shalt  }
0x48: {  	_ =	shalt  }
0x49: {  	_ =	shalt  }
0x4a: {  	_ =	shalt  }
0x4b: {  	_ =	shalt  }
0x4c: {  	_ =	shalt  }
0x4d: {  	_ =	shalt  }
0x4e: {  	_ =	shalt  }
0x4f: {  	_ =	shalt  }
0x50: {  	_ =	shalt  }
0x51: {  	_ =	shalt  }
0x52: {  	_ =	shalt  }
0x53: {  	_ =	shalt  }
0x54: {  	_ =	shalt  }
0x55: {  	_ =	shalt  }
0x56: {  	_ =	shalt  }
0x57: {  	_ =	shalt  }
0x58: {  	_ =	shalt  }
0x59: {  	_ =	shalt  }
0x5a: {  	_ =	shalt  }
0x5b: {  	_ =	shalt  }
0x5c: {  	_ =	shalt  }
0x5d: {  	_ =	shalt  }
0x5e: {  	_ =	shalt  }
0x5f: {  	_ =	shalt  }
0x60: {  	_ =	shalt  }
0x61: {  	_ =	shalt  }
0x62: {  	_ =	shalt  }
0x63: {  	_ =	shalt  }
0x64: {  	_ =	shalt  }
0x65: {  	_ =	shalt  }
0x66: {  	_ =	shalt  }
0x67: {  	_ =	shalt  }
0x68: {  	_ =	shalt  }
0x69: {  	_ =	shalt  }
0x6a: {  	_ =	shalt  }
0x6b: {  	_ =	shalt  }
0x6c: {  	_ =	shalt  }
0x6d: {  	_ =	shalt  }
0x6e: {  	_ =	shalt  }
0x6f: {  	_ =	shalt  }
0x70: {  	_ =	shalt  }
0x71: {  	_ =	shalt  }
0x72: {  	_ =	shalt  }
0x73: {  	_ =	shalt  }
0x74: {  	_ =	shalt  }
0x75: {  	_ =	shalt  }
0x76: {  	_ =	shalt  }
0x77: {  	_ =	shalt  }
0x78: {  	_ =	shalt  }
0x79: {  	_ =	shalt  }
0x7a: {  	_ =	shalt  }
0x7b: {  	_ =	shalt  }
0x7c: {  	_ =	shalt  }
0x7d: {  	_ =	shalt  }
0x7e: {  	_ =	shalt  }
0x7f: {  	_ =	shalt  }
0x80: {  	_ =	shalt  }
0x81: {  	_ =	shalt  }
0x82: {  	_ =	shalt  }
0x83: {  	_ =	shalt  }
0x84: {  	_ =	shalt  }
0x85: {  	_ =	shalt  }
0x86: {  	_ =	shalt  }
0x87: {  	_ =	shalt  }
.Lfunc_end0:
.L_simem_size_0:
called_computation_lowered:
.L_overlay_start_0:
0x88: {  	s2 =	sld [smem:$0x3FD9]  }
0x89: {  	s3 =	sld [smem:$0x3FFE];
	_ =	sdelay $0x1  }
0x8a: {  	s1 =	srdreg.scid  }
0x8b: {  	s0 =	sand.u32 $0x1, s1  }
0x8c: {  	s17 =	sshll.u32 s0, $0xA;
	s2 =	sadd.s32 s3, s2  }
0x8d: {  	s2 =	sadd.s32 s2, s17  }
0x8e: {  	[smem:$0x3FC6] =	sst s2  }
0x8f: {  	_ = 	snop  }
0x90: {  	s2 =	sld [smem:$0x3FC8]  }
0x91: {  	s18 =	sld [smem:$0x3FD0];
	(tm) =	ssettm $0x1  }
0x92: {  	s4 =	sld [smem:$0x3FFB];
	_ =	sdelay $0x3  }
0x93: {  	_ =	strace s4  }
0x94: {  	s4 =	sld [smem:$0x3FFC];
	_ =	sdelay $0x3  }
0x95: {  	_ =	strace s4  }
0x96: {  	s4 =	sld [smem:$0x3FFD];
	_ =	sdelay $0x3  }
0x97: {  	_ =	strace s4  }
0x98: {  	_ =	strace $0x8FFFFFFF  }
0x99: {  	s19 =	sld [smem:$0x3FDB];
	_ =	sdelay $0x1  }
0x9a: {  	s5 =	simm.s32 $_scs_section_size  }
0x9b: {  	s6 =	simm.s32 $_size__tile_overlayer_lowered;
	s7 =	simm.s32 $_tile_overlayer_lowered  }
0x9c: {  	s22 =	simm.s32 $0x1BFF;
	s21 =	sshll.u32 s7, $0x1;
	s4 =	sadd.s32 s5, s19  }
0x9d: {  	s8 =	simm.s32 $0x0;
	s20 =	sshll.u32 s6, $0x1;
	s6 =	sadd.s32 s21, s4  }
0x9e: {  	[timem:s8], [sflag:s22] =	dma.local [hbm:s6], s20  }
0x9f: {  	_ =	swait.ge [sflag:s22], s20  }
0xa0: {  	s5 =	ssub.s32 $0x0, s20;
	[sflag:s22] =	ssyncset.done $0x0  }
0xa1: {  	[sflag:s22] =	ssyncadd.s32 s5;
	_ =	sdelay $0x1  }
0xa2: {  	s23 =	simm.s32 $0x1B8B  }
0xa3: {  	_ =	swait.ge [sflag:s23], $0x1  }
0xa4: {  	[sflag:s23] =	ssyncset.done $0x0  }
0xa5: {  	s25 =	simm.s32 $0x1B8E;
	s24 =	sld [smem:$0x3FFE];
	[sflag:s23] =	ssyncadd.s32 $0xFFFFFFFF  }
0xa6: {  	s26 =	simm.s32 $execute0_lowered;
	[smem:$0x3FD2] =	sst s25  }
0xa7: {  	s6 =	sshll.u32 s26, $0x1;
	_ =	strace $0x80000046;
	[dreg:$0x1] =	wrdreg $0xFFFFFFFF  }
0xa8: {  	s28 =	simm.s32 $_size_execute0_lowered;
	s4 =	sadd.s32 s4, s6;
	[dreg:$0x0] =	wrdreg $0x0  }
0xa9: {  	s6 =	sshll.u32 s28, $0x1;
	[dreg:$0x2] =	wrdreg s4  }
0xaa: {  	[dreg:$0x3] =	wrdreg s6  }
0xab: {  	[dreg:$0x4] =	wrdreg $0xC0  }
0xac: {  	_ =	task [dreg:s8], $0x5FFFF  }
0xad: {  	[dreg:$0x1] =	wrdreg $0xFFFFFFFF  }
0xae: {  	[dreg:$0x0] =	wrdreg $0x60  }
0xaf: {  	[dreg:$0x2] =	wrdreg s18  }
0xb0: {  	[dreg:$0x3] =	wrdreg s2  }
0xb1: {  	[dreg:$0x4] =	wrdreg s24  }
0xb2: {  	[dreg:$0x5] =	wrdreg $0x9  }
0xb3: {  	_ =	task.clear_ibuf [dreg:s8], $0x6FFFF;
	_ =	strace $0x90000046  }
0xb4: {  	s29 =	simm.s32 $0x9;
	_ =	strace $0x80000048  }
0xb5: {  	_ =	swait.ge [sflag:s29], $0x1  }
0xb6: {  	[sflag:s29] =	ssyncadd.s32 $0xFFFFFFFF  }
0xb7: {  	_ =	strace $0x90000048  }
0xb8: {  	_ =	sfence  }
0xb9: {  	s30 =	sld [smem:$0x0];
	_ =	sdelay $0x2  }
0xba: {  	s31 =	sshll.u32 s1, $0xD;
	s1 =	sshrl.u32 s1, $0x2  }
0xbb: {  	s3 =	sand.u32 $0x4000, s31;
	s1 =	sadd.s32 s1, s30  }
0xbc: {  	s0 =	sor.u32 s3, s0;
	s1 =	sshll.u32 s1, $0x11  }
0xbd: {  	s0 =	sor.u32 s1, s0  }
0xbe: {  	s0 =	sadd.s32 $0x8F2B, s0  }
0xbf: {  	[sflag:s0] =	ssyncadd.remote.s32 $0x1  }
0xc0: {  	_ =	sfence.sel $0xFFFF  }
0xc1: {  	[dreg:$0x0] =	wrdreg $0xFFFFFFFF;
	(pc) =	sbr.abs _section_cstart, $3  }
0xc2: {  	[dreg:$0x1] =	wrdreg $0xFFFFFFFF  }
0xc3: {  	_ =	task.clear_ibuf [dreg:s8], $0x2FFFF;
	_ =	strace $0x9FFFFFFF  }
0xc4: {  	(tm) =	ssettm $0x7FFFFFFF  }
0xc5: {  	_ =	shalt  }
tec
execute0_lowered:
.L_overlay_start_1:
0x0: {  	(tag) =	ssettag $0x1  }
0x1: {  	s4 =	rddreg [dreg:$0x0]  }
0x2: {  	s2 =	rddreg [dreg:$0x1]  }
0x3: {  	s5 =	rddreg [dreg:$0x2]  }
0x4: {  	s0 =	rddreg [dreg:$0x3];
	s6 =	srdreg.scid  }
0x5: {  	s1 =	stileid.u32;
	s3 =	simm.s32 $0x0;
	s9 =	simm.s32 $0x1  }
0x6: {  	s10 =	simm.s32 $0x6800;
	s6 =	sand.u32 $0x1, s6;
	s7 =	sshll.u32 s1, $0x1  }
0x7: {  	s11 =	simm.s32 $0x0;
	[smem:$0x7FF] =	sst s3;
	s7 =	sor.u32 s6, s7  }
0x8: {  	s6 =	ssub.s32 $0x2, s6;
	s8 =	sshll.u32 s7, $0xD;
	s7 =	smul.u32 $0x680, s7  }
0x9: {  	_ =	strace $0x80000047;
	s31 =	sshrl.u32 s6, $0x1;
	s5 =	sadd.s32 s8, s5  }
0xa: {  	s6 =	ssub.s32 s6, s31;
	s8 =	simm.s32 $0x3400;
	s4 =	sadd.s32 s4, s7  }
0xb: {  	s5 =	sadd.s32 $0x400, s5;
	s6 =	smax.u32 s6, $0x1;
	s7 =	simm.s32 $0x2  }
.LBB2_1:
0xc: {  	[tilespmem:s3], [sflag:$0x2] =	stream.linear.gather [hbm4b:s4+s3], $0x3400, $0x38;
	[tilespmem:$0x16800] =	vst v63  }
0xd: {  	_ =	swait.ge [sflag:s7], $0x3400  }
0xe: {  	[sflag:s7] =	ssyncset.done $0x0  }
0xf: {  	[sflag:s7] =	ssyncadd.s32 $0xFFFFCC00  }
0x10: {  	[tilespmem:s8], [sflag:$0x1] =	stream.indirect.gather [hbm4b:s2+s8], $0x1, s3, s8, $0xb8;
	[tilespmem:$0x16800] =	vst v63  }
0x11: {  	_ =	swait.ge [sflag:s9], $0x3400  }
0x12: {  	[sflag:s9] =	ssyncset.done $0x0  }
0x13: {  	s13 =	simm.s32 $0x3468;
	[sflag:s9] =	ssyncadd.s32 $0xFFFFCC00  }
0x14: {  	v0 =	vld [tilespmem:s13+$0xFFFFFF98];
	_ =	sdelay $0x3  }
0x15: {  	s12 =	simm.s32 $0x6A00  }
0x16: {  	[tilespmem:s12+$0xFFFFFE00] =	vst v0  }
0x17: {  	v0 =	vld [tilespmem:s13+$0xFFFFFFA2];
	_ =	sdelay $0x4  }
0x18: {  	[tilespmem:s12+$0xFFFFFE0A] =	vst v0  }
0x19: {  	v0 =	vld [tilespmem:s13+$0xFFFFFFB2];
	_ =	sdelay $0x4  }
0x1a: {  	[tilespmem:s12+$0xFFFFFE80] =	vst v0  }
0x1b: {  	v0 =	vld [tilespmem:s13+$0xFFFFFFBC];
	_ =	sdelay $0x4  }
0x1c: {  	[tilespmem:s12+$0xFFFFFE8A] =	vst v0  }
0x1d: {  	v0 =	vld [tilespmem:s13+$0xFFFFFFCC];
	_ =	sdelay $0x4  }
0x1e: {  	[tilespmem:s12+$0xFFFFFF00] =	vst v0  }
0x1f: {  	v0 =	vld [tilespmem:s13+$0xFFFFFFD6];
	_ =	sdelay $0x4  }
0x20: {  	[tilespmem:s12+$0xFFFFFF0A] =	vst v0  }
0x21: {  	v0 =	vld [tilespmem:s13+$0xFFFFFFE6];
	_ =	sdelay $0x4  }
0x22: {  	[tilespmem:s12+$0xFFFFFF80] =	vst v0  }
0x23: {  	v0 =	vld [tilespmem:s13+$0xFFFFFFF0];
	_ =	sdelay $0x4  }
0x24: {  	[tilespmem:s12+$0xFFFFFF8A] =	vst v0  }
0x25: {  	v0 =	vld [tilespmem:s13+$0x0];
	_ =	sdelay $0x4  }
0x26: {  	[tilespmem:s12+$0x0] =	vst v0  }
0x27: {  	v0 =	vld [tilespmem:s13+$0xA];
	_ =	sdelay $0x4  }
0x28: {  	[tilespmem:s12+$0xA] =	vst v0  }
0x29: {  	v0 =	vld [tilespmem:s13+$0x1A];
	_ =	sdelay $0x4  }
0x2a: {  	[tilespmem:s12+$0x80] =	vst v0  }
0x2b: {  	v0 =	vld [tilespmem:s13+$0x24];
	_ =	sdelay $0x4  }
0x2c: {  	[tilespmem:s12+$0x8A] =	vst v0  }
0x2d: {  	v0 =	vld [tilespmem:s13+$0x34];
	_ =	sdelay $0x4  }
0x2e: {  	[tilespmem:s12+$0x100] =	vst v0  }
0x2f: {  	v0 =	vld [tilespmem:s13+$0x3E];
	_ =	sdelay $0x4  }
0x30: {  	[tilespmem:s12+$0x10A] =	vst v0  }
0x31: {  	v0 =	vld [tilespmem:s13+$0x4E];
	_ =	sdelay $0x4  }
0x32: {  	[tilespmem:s12+$0x180] =	vst v0  }
0x33: {  	v0 =	vld [tilespmem:s13+$0x58];
	_ =	sdelay $0x4  }
0x34: {  	s14 =	simm.s32 $0x3538;
	s13 =	simm.s32 $0x0;
	[tilespmem:s12+$0x18A] =	vst v0  }
.LBB2_2:
0x35: {  	v0 =	vld [tilespmem:s14+$0xFFFFFF98];
	s13 =	sadd.s32 $0x8, s13  }
0x36: {  	p0 =	slt.u32 s13, $0x1F8;
	_ =	sdelay $0x2  }
0x37: {  	s12 =	sadd.s32 $0x400, s12  }
0x38: {  	[tilespmem:s12+$0xFFFFFE00] =	vst v0  }
0x39: {  	v0 =	vld [tilespmem:s14+$0xFFFFFFA2];
	_ =	sdelay $0x4  }
0x3a: {  	[tilespmem:s12+$0xFFFFFE0A] =	vst v0  }
0x3b: {  	v0 =	vld [tilespmem:s14+$0xFFFFFFB2];
	_ =	sdelay $0x4  }
0x3c: {  	[tilespmem:s12+$0xFFFFFE80] =	vst v0  }
0x3d: {  	v0 =	vld [tilespmem:s14+$0xFFFFFFBC];
	_ =	sdelay $0x4  }
0x3e: {  	[tilespmem:s12+$0xFFFFFE8A] =	vst v0  }
0x3f: {  	v0 =	vld [tilespmem:s14+$0xFFFFFFCC];
	_ =	sdelay $0x4  }
0x40: {  	[tilespmem:s12+$0xFFFFFF00] =	vst v0  }
0x41: {  	v0 =	vld [tilespmem:s14+$0xFFFFFFD6];
	_ =	sdelay $0x4  }
0x42: {  	[tilespmem:s12+$0xFFFFFF0A] =	vst v0  }
0x43: {  	v0 =	vld [tilespmem:s14+$0xFFFFFFE6];
	_ =	sdelay $0x4  }
0x44: {  	[tilespmem:s12+$0xFFFFFF80] =	vst v0  }
0x45: {  	v0 =	vld [tilespmem:s14+$0xFFFFFFF0];
	_ =	sdelay $0x4  }
0x46: {  	[tilespmem:s12+$0xFFFFFF8A] =	vst v0  }
0x47: {  	v0 =	vld [tilespmem:s14+$0x0];
	_ =	sdelay $0x4  }
0x48: {  	[tilespmem:s12+$0x0] =	vst v0  }
0x49: {  	v0 =	vld [tilespmem:s14+$0xA];
	_ =	sdelay $0x4  }
0x4a: {  	[tilespmem:s12+$0xA] =	vst v0  }
0x4b: {  	v0 =	vld [tilespmem:s14+$0x1A];
	_ =	sdelay $0x4  }
0x4c: {  	[tilespmem:s12+$0x80] =	vst v0  }
0x4d: {  	v0 =	vld [tilespmem:s14+$0x24];
	_ =	sdelay $0x4  }
0x4e: {  	[tilespmem:s12+$0x8A] =	vst v0  }
0x4f: {  	v0 =	vld [tilespmem:s14+$0x34];
	_ =	sdelay $0x4  }
0x50: {  	[tilespmem:s12+$0x100] =	vst v0  }
0x51: {  	v0 =	vld [tilespmem:s14+$0x3E];
	_ =	sdelay $0x4  }
0x52: {  	[tilespmem:s12+$0x10A] =	vst v0  }
0x53: {  	v0 =	vld [tilespmem:s14+$0x4E];
	_ =	sdelay $0x4  }
0x54: {  	[tilespmem:s12+$0x180] =	vst v0  }
0x55: {  	v0 =	vld [tilespmem:s14+$0x58]  }
.Ltmp0:
0x56: {  	(pc) =	sbr.rel @p0 .LBB2_2-.Ltmp0, $2  }
0x57: {  	_ =	sdelay $0x2  }
0x58: {  	s14 =	sadd.s32 $0xD0, s14;
	[tilespmem:s12+$0x18A] =	vst v0  }
0x59: {  	s11 =	sadd.s32 $0x1, s11  }
0x5a: {  	p0 =	sne.s32 s11, s6  }
.Ltmp1:
0x5b: {  	_ = 	snop;
	(pc) =	sbr.rel @p0 .LBB2_1-.Ltmp1, $4  }
0x5c: {  	[hbm4b:s5+s3] =	stream.linear.scatter [tilespmem:s10], [sflag:$0x2], $0x10000, $0x38;
	[tilespmem:$0x16800] =	vst v63  }
0x5d: {  	_ =	swait.ge [sflag:s7], $0x10000  }
0x5e: {  	[sflag:s7] =	ssyncset.done $0x0  }
0x5f: {  	[sflag:s7] =	ssyncadd.s32 $0xFFFF0000  }
0x60: {  	_ =	sfence.sel $0x180000  }
0x61: {  	[bflag:$0x0] =	sbarrier.arrive $0xFFFF  }
0x62: {  	p0 =	sne.s32 s1, $0x0;
	_ =	strace $0x90000047  }
0x63: {  	s0 =	sadd.s32 @!p0 $0x100000, s0;
	[bflag:$0x2] =	sbarrier.arrive $0xFFFF  }
0x64: {  	[sflag:s0] =	ssyncadd.tile.s32 @!p0 $0x1;
	_ =	shalt  }
.Lfunc_end2:
_tile_overlayer_lowered:
.L_overlay_start_2:
0x65: {  	(tag) =	ssettag $0x2  }
0x66: {  	s0 =	rddreg [dreg:$0x0];
	s2 =	stileid.u32  }
0x67: {  	s1 =	rddreg [dreg:$0x1];
	p0 =	sne.s32 s2, $0x0  }
0x68: {  	s3 =	rddreg [dreg:$0x2];
	[bflag:$0x3] =	sbarrier.arrive $0xFFFF;
	s2 =	simm.s32 @!p0 $0x1C02  }
0x69: {  	[timem:s3], [sflag:s2] =	dma.local @!p0 [hbm:s0], s1  }
0x6a: {  	s0 =	simm.s32 @!p0 $0x2  }
0x6b: {  	_ =	swait.ge @!p0 [sflag:s0], s1  }
0x6c: {  	s1 =	ssub.s32 @!p0 $0x0, s1;
	[sflag:s0] =	ssyncset.done @!p0 $0x0  }
0x6d: {  	[sflag:s0] =	ssyncadd.s32 @!p0 s1  }
0x6e: {  	[bflag:$0x3] =	sbarrier.arrive $0xFFFF  }
0x6f: {  	_ =	shalt  }

</sc_bundles>
